<compile_context>
chip_gen: v7x
topology: tpu7x:2x2x1
jax: 0.10.2.dev20260603
libtpu: 0.0.44.dev20260713+nightly
codegen_flags: <defaults>
</compile_context>

<pallas_src>
import functools
import jax
import jax.numpy as jnp
from jax import lax
from jax.experimental import pallas as pl
from jax.experimental.pallas import tpu as pltpu
from jax.experimental.pallas import tpu_sc as plsc

_NC, _NS = 2, 16
_NW = _NC * _NS
_R = 8
_Q = 4


def _sc_body(w_hbm, out_hbm, stage, sems):
    B, ROW = out_hbm.shape
    per_w = B // _NW
    n_chunks = per_w // _R
    c = lax.axis_index("c")
    s = lax.axis_index("s")
    wid = s * _NC + c
    base = wid * per_w
    for r in range(_R):
        pltpu.sync_copy(w_hbm, stage.at[r])

    def loop(i, carry):
        pltpu.make_async_copy(
            stage, out_hbm.at[pl.ds(base + i * _R, _R), :], sems.at[0]
        ).start()
        return carry

    lax.fori_loop(0, n_chunks, loop, 0)

    def drain(i, carry):
        pltpu.make_async_copy(
            stage, out_hbm.at[pl.ds(base, _R), :], sems.at[0]
        ).wait()
        return carry

    lax.fori_loop(0, n_chunks, drain, 0)


def kernel(x, W):
    B, S = x.shape
    M, D = W.shape
    ROW = S * D
    Wf = W[:S].reshape(ROW)
    mesh = plsc.VectorSubcoreMesh(core_axis_name="c", subcore_axis_name="s")
    k = functools.partial(
        pl.kernel,
        mesh=mesh,
        out_type=jax.ShapeDtypeStruct((B, ROW), jnp.float32),
        scratch_types=[
            pltpu.VMEM((_R, ROW), jnp.float32),
            pltpu.SemaphoreType.DMA((_Q,)),
        ],
    )(_sc_body)
    out = k(Wf)
    return out.reshape(B, S, D)

# --- scband reference (transcript-rebuilt; emitter-appended) ---
"""Pipeline reference for scband-positional-embedding-29059748725409 (READ-ONLY COPY).

The authoritative reference and input builder live on the scoring server;
editing this copy changes nothing except your own understanding.
"""

import jax, jax.numpy as jnp
import numpy as np

MAX_LEN = 200
EMBED_DIM = 64

def setup_inputs(seed: int = 0) -> dict:
    key = jax.random.key(seed)
    k_x, k_w = jax.random.split(key)
    x = jax.random.randint(k_x, (16384, 200), 0, MAX_LEN, dtype=jnp.int64 if jax.config.jax_enable_x64 else jnp.int32)
    # learned embedding table, init normal with std = embedding_dim ** -0.5
    W = jax.random.normal(k_w, (MAX_LEN, EMBED_DIM), dtype=jnp.float32) * (EMBED_DIM ** -0.5)
    return {"x": x, "W": W}

def reference(x, W):
    batch_size, seq_len = x.shape
    positions = jnp.arange(seq_len)[None, :]
    positions = jnp.broadcast_to(positions, (batch_size, seq_len))
    # embedding lookup: gather rows of W
    out = jnp.take(W, positions, axis=0)
    return out

if __name__ == "__main__":
    import jax
    _d = setup_inputs()
    print(jax.jit(kernel)(*tuple(_d.values())))

</pallas_src>

<mosaic_0001>
#map = affine_map<(d0, d1) -> (0)>
#map1 = affine_map<(d0, d1) -> (0, 0)>
module attributes {stable_mosaic.version = 14 : i64} {
  func.func @_sc_body(%arg0: i32, %arg1: i32, %arg2: memref<12800xf32, #tpu.memory_space<hbm>>, %arg3: memref<16384x12800xf32, #tpu.memory_space<hbm>>, %arg4: memref<8x12800xf32, #tpu.memory_space<vmem>>, %arg5: memref<4x!tpu.dma_semaphore, #tpu.memory_space<semaphore_mem>>) attributes {dimension_semantics = [#tpu.dimension_semantics<core_parallel>, #tpu.dimension_semantics<subcore_parallel>], iteration_bounds = array<i64: 2, 16>, scalar_prefetch = 0 : i64, scratch_operands = 2 : i64, tpu.core_type = #tpu.core_type<sc_vector_subcore>, window_params = [{transform_indices = #map}, {transform_indices = #map1}]} {
    %mul3A = arith.constant 2 : i32
    %mul3A_0 = arith.muli %arg1, %mul3A : i32
    %add3A = arith.addi %mul3A_0, %arg0 : i32
    %mul3A_1 = arith.constant 512 : i32
    %mul3A_2 = arith.muli %add3A, %mul3A_1 : i32
    %run_scoped3A = arith.constant 0 : i32
    "tpu.region"() ({
      %run_scoped3A_21 = tpu.sem_alloc : memref<!tpu.dma_semaphore, #tpu.memory_space<semaphore_mem>>
      %dma_start3A = arith.constant 0 : i32
      %dma_start3A_22 = tpu.memref_slice %arg4[%run_scoped3A, %dma_start3A] : memref<8x12800xf32, #tpu.memory_space<vmem>> -> memref<1x12800xf32, #tpu.memory_space<vmem>>
      %dma_start3A_23 = tpu.memref_squeeze %dma_start3A_22 : memref<1x12800xf32, #tpu.memory_space<vmem>> -> memref<12800xf32, #tpu.memory_space<vmem>>
      %dma_start3A_24 = arith.constant 0 : i32
      %dma_start3A_25 = tpu.memref_slice %arg4[%run_scoped3A, %dma_start3A_24] : memref<8x12800xf32, #tpu.memory_space<vmem>> -> memref<1x12800xf32, #tpu.memory_space<vmem>>
      %dma_start3A_26 = tpu.memref_squeeze %dma_start3A_25 : memref<1x12800xf32, #tpu.memory_space<vmem>> -> memref<12800xf32, #tpu.memory_space<vmem>>
      tpu.enqueue_dma source(%arg2 : memref<12800xf32, #tpu.memory_space<hbm>>) target(%dma_start3A_26 : memref<12800xf32, #tpu.memory_space<vmem>>) target_semaphore(%run_scoped3A_21 : memref<!tpu.dma_semaphore, #tpu.memory_space<semaphore_mem>>)
      %dma_wait3A = arith.constant 0 : i32
      %dma_wait3A_27 = tpu.memref_slice %arg4[%run_scoped3A, %dma_wait3A] : memref<8x12800xf32, #tpu.memory_space<vmem>> -> memref<1x12800xf32, #tpu.memory_space<vmem>>
      %dma_wait3A_28 = tpu.memref_squeeze %dma_wait3A_27 : memref<1x12800xf32, #tpu.memory_space<vmem>> -> memref<12800xf32, #tpu.memory_space<vmem>>
      %dma_wait3A_29 = arith.constant 0 : i32
      %dma_wait3A_30 = tpu.memref_slice %arg4[%run_scoped3A, %dma_wait3A_29] : memref<8x12800xf32, #tpu.memory_space<vmem>> -> memref<1x12800xf32, #tpu.memory_space<vmem>>
      %dma_wait3A_31 = tpu.memref_squeeze %dma_wait3A_30 : memref<1x12800xf32, #tpu.memory_space<vmem>> -> memref<12800xf32, #tpu.memory_space<vmem>>
      tpu.wait_dma2 semaphore(%run_scoped3A_21 : memref<!tpu.dma_semaphore, #tpu.memory_space<semaphore_mem>>) src(%arg2 : memref<12800xf32, #tpu.memory_space<hbm>>) dst(%dma_wait3A_31 : memref<12800xf32, #tpu.memory_space<vmem>>)
      tpu.yield
    }) : () -> ()
    %run_scoped3A_3 = arith.constant 1 : i32
    "tpu.region"() ({
      %run_scoped3A_21 = tpu.sem_alloc : memref<!tpu.dma_semaphore, #tpu.memory_space<semaphore_mem>>
      %dma_start3A = arith.constant 0 : i32
      %dma_start3A_22 = tpu.memref_slice %arg4[%run_scoped3A_3, %dma_start3A] : memref<8x12800xf32, #tpu.memory_space<vmem>> -> memref<1x12800xf32, #tpu.memory_space<vmem>>
      %dma_start3A_23 = tpu.memref_squeeze %dma_start3A_22 : memref<1x12800xf32, #tpu.memory_space<vmem>> -> memref<12800xf32, #tpu.memory_space<vmem>>
      %dma_start3A_24 = arith.constant 0 : i32
      %dma_start3A_25 = tpu.memref_slice %arg4[%run_scoped3A_3, %dma_start3A_24] : memref<8x12800xf32, #tpu.memory_space<vmem>> -> memref<1x12800xf32, #tpu.memory_space<vmem>>
      %dma_start3A_26 = tpu.memref_squeeze %dma_start3A_25 : memref<1x12800xf32, #tpu.memory_space<vmem>> -> memref<12800xf32, #tpu.memory_space<vmem>>
      tpu.enqueue_dma source(%arg2 : memref<12800xf32, #tpu.memory_space<hbm>>) target(%dma_start3A_26 : memref<12800xf32, #tpu.memory_space<vmem>>) target_semaphore(%run_scoped3A_21 : memref<!tpu.dma_semaphore, #tpu.memory_space<semaphore_mem>>)
      %dma_wait3A = arith.constant 0 : i32
      %dma_wait3A_27 = tpu.memref_slice %arg4[%run_scoped3A_3, %dma_wait3A] : memref<8x12800xf32, #tpu.memory_space<vmem>> -> memref<1x12800xf32, #tpu.memory_space<vmem>>
      %dma_wait3A_28 = tpu.memref_squeeze %dma_wait3A_27 : memref<1x12800xf32, #tpu.memory_space<vmem>> -> memref<12800xf32, #tpu.memory_space<vmem>>
      %dma_wait3A_29 = arith.constant 0 : i32
      %dma_wait3A_30 = tpu.memref_slice %arg4[%run_scoped3A_3, %dma_wait3A_29] : memref<8x12800xf32, #tpu.memory_space<vmem>> -> memref<1x12800xf32, #tpu.memory_space<vmem>>
      %dma_wait3A_31 = tpu.memref_squeeze %dma_wait3A_30 : memref<1x12800xf32, #tpu.memory_space<vmem>> -> memref<12800xf32, #tpu.memory_space<vmem>>
      tpu.wait_dma2 semaphore(%run_scoped3A_21 : memref<!tpu.dma_semaphore, #tpu.memory_space<semaphore_mem>>) src(%arg2 : memref<12800xf32, #tpu.memory_space<hbm>>) dst(%dma_wait3A_31 : memref<12800xf32, #tpu.memory_space<vmem>>)
      tpu.yield
    }) : () -> ()
    %run_scoped3A_4 = arith.constant 2 : i32
    "tpu.region"() ({
      %run_scoped3A_21 = tpu.sem_alloc : memref<!tpu.dma_semaphore, #tpu.memory_space<semaphore_mem>>
      %dma_start3A = arith.constant 0 : i32
      %dma_start3A_22 = tpu.memref_slice %arg4[%run_scoped3A_4, %dma_start3A] : memref<8x12800xf32, #tpu.memory_space<vmem>> -> memref<1x12800xf32, #tpu.memory_space<vmem>>
      %dma_start3A_23 = tpu.memref_squeeze %dma_start3A_22 : memref<1x12800xf32, #tpu.memory_space<vmem>> -> memref<12800xf32, #tpu.memory_space<vmem>>
      %dma_start3A_24 = arith.constant 0 : i32
      %dma_start3A_25 = tpu.memref_slice %arg4[%run_scoped3A_4, %dma_start3A_24] : memref<8x12800xf32, #tpu.memory_space<vmem>> -> memref<1x12800xf32, #tpu.memory_space<vmem>>
      %dma_start3A_26 = tpu.memref_squeeze %dma_start3A_25 : memref<1x12800xf32, #tpu.memory_space<vmem>> -> memref<12800xf32, #tpu.memory_space<vmem>>
      tpu.enqueue_dma source(%arg2 : memref<12800xf32, #tpu.memory_space<hbm>>) target(%dma_start3A_26 : memref<12800xf32, #tpu.memory_space<vmem>>) target_semaphore(%run_scoped3A_21 : memref<!tpu.dma_semaphore, #tpu.memory_space<semaphore_mem>>)
      %dma_wait3A = arith.constant 0 : i32
      %dma_wait3A_27 = tpu.memref_slice %arg4[%run_scoped3A_4, %dma_wait3A] : memref<8x12800xf32, #tpu.memory_space<vmem>> -> memref<1x12800xf32, #tpu.memory_space<vmem>>
      %dma_wait3A_28 = tpu.memref_squeeze %dma_wait3A_27 : memref<1x12800xf32, #tpu.memory_space<vmem>> -> memref<12800xf32, #tpu.memory_space<vmem>>
      %dma_wait3A_29 = arith.constant 0 : i32
      %dma_wait3A_30 = tpu.memref_slice %arg4[%run_scoped3A_4, %dma_wait3A_29] : memref<8x12800xf32, #tpu.memory_space<vmem>> -> memref<1x12800xf32, #tpu.memory_space<vmem>>
      %dma_wait3A_31 = tpu.memref_squeeze %dma_wait3A_30 : memref<1x12800xf32, #tpu.memory_space<vmem>> -> memref<12800xf32, #tpu.memory_space<vmem>>
      tpu.wait_dma2 semaphore(%run_scoped3A_21 : memref<!tpu.dma_semaphore, #tpu.memory_space<semaphore_mem>>) src(%arg2 : memref<12800xf32, #tpu.memory_space<hbm>>) dst(%dma_wait3A_31 : memref<12800xf32, #tpu.memory_space<vmem>>)
      tpu.yield
    }) : () -> ()
    %run_scoped3A_5 = arith.constant 3 : i32
    "tpu.region"() ({
      %run_scoped3A_21 = tpu.sem_alloc : memref<!tpu.dma_semaphore, #tpu.memory_space<semaphore_mem>>
      %dma_start3A = arith.constant 0 : i32
      %dma_start3A_22 = tpu.memref_slice %arg4[%run_scoped3A_5, %dma_start3A] : memref<8x12800xf32, #tpu.memory_space<vmem>> -> memref<1x12800xf32, #tpu.memory_space<vmem>>
      %dma_start3A_23 = tpu.memref_squeeze %dma_start3A_22 : memref<1x12800xf32, #tpu.memory_space<vmem>> -> memref<12800xf32, #tpu.memory_space<vmem>>
      %dma_start3A_24 = arith.constant 0 : i32
      %dma_start3A_25 = tpu.memref_slice %arg4[%run_scoped3A_5, %dma_start3A_24] : memref<8x12800xf32, #tpu.memory_space<vmem>> -> memref<1x12800xf32, #tpu.memory_space<vmem>>
      %dma_start3A_26 = tpu.memref_squeeze %dma_start3A_25 : memref<1x12800xf32, #tpu.memory_space<vmem>> -> memref<12800xf32, #tpu.memory_space<vmem>>
      tpu.enqueue_dma source(%arg2 : memref<12800xf32, #tpu.memory_space<hbm>>) target(%dma_start3A_26 : memref<12800xf32, #tpu.memory_space<vmem>>) target_semaphore(%run_scoped3A_21 : memref<!tpu.dma_semaphore, #tpu.memory_space<semaphore_mem>>)
      %dma_wait3A = arith.constant 0 : i32
      %dma_wait3A_27 = tpu.memref_slice %arg4[%run_scoped3A_5, %dma_wait3A] : memref<8x12800xf32, #tpu.memory_space<vmem>> -> memref<1x12800xf32, #tpu.memory_space<vmem>>
      %dma_wait3A_28 = tpu.memref_squeeze %dma_wait3A_27 : memref<1x12800xf32, #tpu.memory_space<vmem>> -> memref<12800xf32, #tpu.memory_space<vmem>>
      %dma_wait3A_29 = arith.constant 0 : i32
      %dma_wait3A_30 = tpu.memref_slice %arg4[%run_scoped3A_5, %dma_wait3A_29] : memref<8x12800xf32, #tpu.memory_space<vmem>> -> memref<1x12800xf32, #tpu.memory_space<vmem>>
      %dma_wait3A_31 = tpu.memref_squeeze %dma_wait3A_30 : memref<1x12800xf32, #tpu.memory_space<vmem>> -> memref<12800xf32, #tpu.memory_space<vmem>>
      tpu.wait_dma2 semaphore(%run_scoped3A_21 : memref<!tpu.dma_semaphore, #tpu.memory_space<semaphore_mem>>) src(%arg2 : memref<12800xf32, #tpu.memory_space<hbm>>) dst(%dma_wait3A_31 : memref<12800xf32, #tpu.memory_space<vmem>>)
      tpu.yield
    }) : () -> ()
    %run_scoped3A_6 = arith.constant 4 : i32
    "tpu.region"() ({
      %run_scoped3A_21 = tpu.sem_alloc : memref<!tpu.dma_semaphore, #tpu.memory_space<semaphore_mem>>
      %dma_start3A = arith.constant 0 : i32
      %dma_start3A_22 = tpu.memref_slice %arg4[%run_scoped3A_6, %dma_start3A] : memref<8x12800xf32, #tpu.memory_space<vmem>> -> memref<1x12800xf32, #tpu.memory_space<vmem>>
      %dma_start3A_23 = tpu.memref_squeeze %dma_start3A_22 : memref<1x12800xf32, #tpu.memory_space<vmem>> -> memref<12800xf32, #tpu.memory_space<vmem>>
      %dma_start3A_24 = arith.constant 0 : i32
      %dma_start3A_25 = tpu.memref_slice %arg4[%run_scoped3A_6, %dma_start3A_24] : memref<8x12800xf32, #tpu.memory_space<vmem>> -> memref<1x12800xf32, #tpu.memory_space<vmem>>
      %dma_start3A_26 = tpu.memref_squeeze %dma_start3A_25 : memref<1x12800xf32, #tpu.memory_space<vmem>> -> memref<12800xf32, #tpu.memory_space<vmem>>
      tpu.enqueue_dma source(%arg2 : memref<12800xf32, #tpu.memory_space<hbm>>) target(%dma_start3A_26 : memref<12800xf32, #tpu.memory_space<vmem>>) target_semaphore(%run_scoped3A_21 : memref<!tpu.dma_semaphore, #tpu.memory_space<semaphore_mem>>)
      %dma_wait3A = arith.constant 0 : i32
      %dma_wait3A_27 = tpu.memref_slice %arg4[%run_scoped3A_6, %dma_wait3A] : memref<8x12800xf32, #tpu.memory_space<vmem>> -> memref<1x12800xf32, #tpu.memory_space<vmem>>
      %dma_wait3A_28 = tpu.memref_squeeze %dma_wait3A_27 : memref<1x12800xf32, #tpu.memory_space<vmem>> -> memref<12800xf32, #tpu.memory_space<vmem>>
      %dma_wait3A_29 = arith.constant 0 : i32
      %dma_wait3A_30 = tpu.memref_slice %arg4[%run_scoped3A_6, %dma_wait3A_29] : memref<8x12800xf32, #tpu.memory_space<vmem>> -> memref<1x12800xf32, #tpu.memory_space<vmem>>
      %dma_wait3A_31 = tpu.memref_squeeze %dma_wait3A_30 : memref<1x12800xf32, #tpu.memory_space<vmem>> -> memref<12800xf32, #tpu.memory_space<vmem>>
      tpu.wait_dma2 semaphore(%run_scoped3A_21 : memref<!tpu.dma_semaphore, #tpu.memory_space<semaphore_mem>>) src(%arg2 : memref<12800xf32, #tpu.memory_space<hbm>>) dst(%dma_wait3A_31 : memref<12800xf32, #tpu.memory_space<vmem>>)
      tpu.yield
    }) : () -> ()
    %run_scoped3A_7 = arith.constant 5 : i32
    "tpu.region"() ({
      %run_scoped3A_21 = tpu.sem_alloc : memref<!tpu.dma_semaphore, #tpu.memory_space<semaphore_mem>>
      %dma_start3A = arith.constant 0 : i32
      %dma_start3A_22 = tpu.memref_slice %arg4[%run_scoped3A_7, %dma_start3A] : memref<8x12800xf32, #tpu.memory_space<vmem>> -> memref<1x12800xf32, #tpu.memory_space<vmem>>
      %dma_start3A_23 = tpu.memref_squeeze %dma_start3A_22 : memref<1x12800xf32, #tpu.memory_space<vmem>> -> memref<12800xf32, #tpu.memory_space<vmem>>
      %dma_start3A_24 = arith.constant 0 : i32
      %dma_start3A_25 = tpu.memref_slice %arg4[%run_scoped3A_7, %dma_start3A_24] : memref<8x12800xf32, #tpu.memory_space<vmem>> -> memref<1x12800xf32, #tpu.memory_space<vmem>>
      %dma_start3A_26 = tpu.memref_squeeze %dma_start3A_25 : memref<1x12800xf32, #tpu.memory_space<vmem>> -> memref<12800xf32, #tpu.memory_space<vmem>>
      tpu.enqueue_dma source(%arg2 : memref<12800xf32, #tpu.memory_space<hbm>>) target(%dma_start3A_26 : memref<12800xf32, #tpu.memory_space<vmem>>) target_semaphore(%run_scoped3A_21 : memref<!tpu.dma_semaphore, #tpu.memory_space<semaphore_mem>>)
      %dma_wait3A = arith.constant 0 : i32
      %dma_wait3A_27 = tpu.memref_slice %arg4[%run_scoped3A_7, %dma_wait3A] : memref<8x12800xf32, #tpu.memory_space<vmem>> -> memref<1x12800xf32, #tpu.memory_space<vmem>>
      %dma_wait3A_28 = tpu.memref_squeeze %dma_wait3A_27 : memref<1x12800xf32, #tpu.memory_space<vmem>> -> memref<12800xf32, #tpu.memory_space<vmem>>
      %dma_wait3A_29 = arith.constant 0 : i32
      %dma_wait3A_30 = tpu.memref_slice %arg4[%run_scoped3A_7, %dma_wait3A_29] : memref<8x12800xf32, #tpu.memory_space<vmem>> -> memref<1x12800xf32, #tpu.memory_space<vmem>>
      %dma_wait3A_31 = tpu.memref_squeeze %dma_wait3A_30 : memref<1x12800xf32, #tpu.memory_space<vmem>> -> memref<12800xf32, #tpu.memory_space<vmem>>
      tpu.wait_dma2 semaphore(%run_scoped3A_21 : memref<!tpu.dma_semaphore, #tpu.memory_space<semaphore_mem>>) src(%arg2 : memref<12800xf32, #tpu.memory_space<hbm>>) dst(%dma_wait3A_31 : memref<12800xf32, #tpu.memory_space<vmem>>)
      tpu.yield
    }) : () -> ()
    %run_scoped3A_8 = arith.constant 6 : i32
    "tpu.region"() ({
      %run_scoped3A_21 = tpu.sem_alloc : memref<!tpu.dma_semaphore, #tpu.memory_space<semaphore_mem>>
      %dma_start3A = arith.constant 0 : i32
      %dma_start3A_22 = tpu.memref_slice %arg4[%run_scoped3A_8, %dma_start3A] : memref<8x12800xf32, #tpu.memory_space<vmem>> -> memref<1x12800xf32, #tpu.memory_space<vmem>>
      %dma_start3A_23 = tpu.memref_squeeze %dma_start3A_22 : memref<1x12800xf32, #tpu.memory_space<vmem>> -> memref<12800xf32, #tpu.memory_space<vmem>>
      %dma_start3A_24 = arith.constant 0 : i32
      %dma_start3A_25 = tpu.memref_slice %arg4[%run_scoped3A_8, %dma_start3A_24] : memref<8x12800xf32, #tpu.memory_space<vmem>> -> memref<1x12800xf32, #tpu.memory_space<vmem>>
      %dma_start3A_26 = tpu.memref_squeeze %dma_start3A_25 : memref<1x12800xf32, #tpu.memory_space<vmem>> -> memref<12800xf32, #tpu.memory_space<vmem>>
      tpu.enqueue_dma source(%arg2 : memref<12800xf32, #tpu.memory_space<hbm>>) target(%dma_start3A_26 : memref<12800xf32, #tpu.memory_space<vmem>>) target_semaphore(%run_scoped3A_21 : memref<!tpu.dma_semaphore, #tpu.memory_space<semaphore_mem>>)
      %dma_wait3A = arith.constant 0 : i32
      %dma_wait3A_27 = tpu.memref_slice %arg4[%run_scoped3A_8, %dma_wait3A] : memref<8x12800xf32, #tpu.memory_space<vmem>> -> memref<1x12800xf32, #tpu.memory_space<vmem>>
      %dma_wait3A_28 = tpu.memref_squeeze %dma_wait3A_27 : memref<1x12800xf32, #tpu.memory_space<vmem>> -> memref<12800xf32, #tpu.memory_space<vmem>>
      %dma_wait3A_29 = arith.constant 0 : i32
      %dma_wait3A_30 = tpu.memref_slice %arg4[%run_scoped3A_8, %dma_wait3A_29] : memref<8x12800xf32, #tpu.memory_space<vmem>> -> memref<1x12800xf32, #tpu.memory_space<vmem>>
      %dma_wait3A_31 = tpu.memref_squeeze %dma_wait3A_30 : memref<1x12800xf32, #tpu.memory_space<vmem>> -> memref<12800xf32, #tpu.memory_space<vmem>>
      tpu.wait_dma2 semaphore(%run_scoped3A_21 : memref<!tpu.dma_semaphore, #tpu.memory_space<semaphore_mem>>) src(%arg2 : memref<12800xf32, #tpu.memory_space<hbm>>) dst(%dma_wait3A_31 : memref<12800xf32, #tpu.memory_space<vmem>>)
      tpu.yield
    }) : () -> ()
    %run_scoped3A_9 = arith.constant 7 : i32
    "tpu.region"() ({
      %run_scoped3A_21 = tpu.sem_alloc : memref<!tpu.dma_semaphore, #tpu.memory_space<semaphore_mem>>
      %dma_start3A = arith.constant 0 : i32
      %dma_start3A_22 = tpu.memref_slice %arg4[%run_scoped3A_9, %dma_start3A] : memref<8x12800xf32, #tpu.memory_space<vmem>> -> memref<1x12800xf32, #tpu.memory_space<vmem>>
      %dma_start3A_23 = tpu.memref_squeeze %dma_start3A_22 : memref<1x12800xf32, #tpu.memory_space<vmem>> -> memref<12800xf32, #tpu.memory_space<vmem>>
      %dma_start3A_24 = arith.constant 0 : i32
      %dma_start3A_25 = tpu.memref_slice %arg4[%run_scoped3A_9, %dma_start3A_24] : memref<8x12800xf32, #tpu.memory_space<vmem>> -> memref<1x12800xf32, #tpu.memory_space<vmem>>
      %dma_start3A_26 = tpu.memref_squeeze %dma_start3A_25 : memref<1x12800xf32, #tpu.memory_space<vmem>> -> memref<12800xf32, #tpu.memory_space<vmem>>
      tpu.enqueue_dma source(%arg2 : memref<12800xf32, #tpu.memory_space<hbm>>) target(%dma_start3A_26 : memref<12800xf32, #tpu.memory_space<vmem>>) target_semaphore(%run_scoped3A_21 : memref<!tpu.dma_semaphore, #tpu.memory_space<semaphore_mem>>)
      %dma_wait3A = arith.constant 0 : i32
      %dma_wait3A_27 = tpu.memref_slice %arg4[%run_scoped3A_9, %dma_wait3A] : memref<8x12800xf32, #tpu.memory_space<vmem>> -> memref<1x12800xf32, #tpu.memory_space<vmem>>
      %dma_wait3A_28 = tpu.memref_squeeze %dma_wait3A_27 : memref<1x12800xf32, #tpu.memory_space<vmem>> -> memref<12800xf32, #tpu.memory_space<vmem>>
      %dma_wait3A_29 = arith.constant 0 : i32
      %dma_wait3A_30 = tpu.memref_slice %arg4[%run_scoped3A_9, %dma_wait3A_29] : memref<8x12800xf32, #tpu.memory_space<vmem>> -> memref<1x12800xf32, #tpu.memory_space<vmem>>
      %dma_wait3A_31 = tpu.memref_squeeze %dma_wait3A_30 : memref<1x12800xf32, #tpu.memory_space<vmem>> -> memref<12800xf32, #tpu.memory_space<vmem>>
      tpu.wait_dma2 semaphore(%run_scoped3A_21 : memref<!tpu.dma_semaphore, #tpu.memory_space<semaphore_mem>>) src(%arg2 : memref<12800xf32, #tpu.memory_space<hbm>>) dst(%dma_wait3A_31 : memref<12800xf32, #tpu.memory_space<vmem>>)
      tpu.yield
    }) : () -> ()
    %scan3A = arith.constant 0 : i32
    %scan3A_10 = arith.constant 0 : i32
    %scan3A_11 = arith.constant 64 : i32
    %scan3A_12 = arith.addi %scan3A_10, %scan3A_11 : i32
    %scan3A_13 = arith.constant 1 : i32
    scf.for %scan3A_21 = %scan3A_10 to %scan3A_12 step %scan3A_13  : i32 {
      %mul3A_22 = arith.constant 8 : i32
      %mul3A_23 = arith.muli %scan3A_21, %mul3A_22 : i32
      %add3A_24 = arith.addi %mul3A_2, %mul3A_23 : i32
      %dma_start3A = arith.constant 0 : i32
      %dma_start3A_25 = arith.constant 0 : i32
      %dma_start3A_26 = tpu.memref_slice %arg3[%add3A_24, %dma_start3A_25] : memref<16384x12800xf32, #tpu.memory_space<hbm>> -> memref<8x12800xf32, #tpu.memory_space<hbm>>
      %dma_start3A_27 = tpu.memref_slice %arg5[%dma_start3A] : memref<4x!tpu.dma_semaphore, #tpu.memory_space<semaphore_mem>> -> memref<1x!tpu.dma_semaphore, #tpu.memory_space<semaphore_mem>>
      %dma_start3A_28 = tpu.memref_squeeze %dma_start3A_27 : memref<1x!tpu.dma_semaphore, #tpu.memory_space<semaphore_mem>> -> memref<!tpu.dma_semaphore, #tpu.memory_space<semaphore_mem>>
      %dma_start3A_29 = arith.constant 0 : i32
      %dma_start3A_30 = tpu.memref_slice %arg3[%add3A_24, %dma_start3A_29] : memref<16384x12800xf32, #tpu.memory_space<hbm>> -> memref<8x12800xf32, #tpu.memory_space<hbm>>
      tpu.enqueue_dma source(%arg4 : memref<8x12800xf32, #tpu.memory_space<vmem>>) target(%dma_start3A_30 : memref<8x12800xf32, #tpu.memory_space<hbm>>) target_semaphore(%dma_start3A_28 : memref<!tpu.dma_semaphore, #tpu.memory_space<semaphore_mem>>)
    }
    %scan3A_14 = arith.constant 64 : i32
    %scan3A_15 = arith.constant 0 : i32
    %scan3A_16 = arith.constant 0 : i32
    %scan3A_17 = arith.constant 64 : i32
    %scan3A_18 = arith.addi %scan3A_16, %scan3A_17 : i32
    %scan3A_19 = arith.constant 1 : i32
    scf.for %scan3A_21 = %scan3A_16 to %scan3A_18 step %scan3A_19  : i32 {
      %dma_wait3A = arith.constant 0 : i32
      %dma_wait3A_22 = arith.constant 0 : i32
      %dma_wait3A_23 = tpu.memref_slice %arg3[%mul3A_2, %dma_wait3A_22] : memref<16384x12800xf32, #tpu.memory_space<hbm>> -> memref<8x12800xf32, #tpu.memory_space<hbm>>
      %dma_wait3A_24 = tpu.memref_slice %arg5[%dma_wait3A] : memref<4x!tpu.dma_semaphore, #tpu.memory_space<semaphore_mem>> -> memref<1x!tpu.dma_semaphore, #tpu.memory_space<semaphore_mem>>
      %dma_wait3A_25 = tpu.memref_squeeze %dma_wait3A_24 : memref<1x!tpu.dma_semaphore, #tpu.memory_space<semaphore_mem>> -> memref<!tpu.dma_semaphore, #tpu.memory_space<semaphore_mem>>
      %dma_wait3A_26 = arith.constant 0 : i32
      %dma_wait3A_27 = tpu.memref_slice %arg3[%mul3A_2, %dma_wait3A_26] : memref<16384x12800xf32, #tpu.memory_space<hbm>> -> memref<8x12800xf32, #tpu.memory_space<hbm>>
      tpu.wait_dma2 semaphore(%dma_wait3A_25 : memref<!tpu.dma_semaphore, #tpu.memory_space<semaphore_mem>>) src(%arg4 : memref<8x12800xf32, #tpu.memory_space<vmem>>) dst(%dma_wait3A_27 : memref<8x12800xf32, #tpu.memory_space<hbm>>)
    }
    %scan3A_20 = arith.constant 64 : i32
    return
  }
}

</mosaic_0001>

<sc_bundles>
// kernel: kernel.3.cloned.1.call-start
scs
__scs_entry_jumppad:
0x0: {  	(pc) =	sbr.rel $0x88, $3  }
0x1: {  	(tag) =	ssettag $0x0;
	lr =	simm.s32 $0x1  }
0x2: {  	[smem:$0x3FA0] =	sst lr;
	_ =	strace $0xD0000000  }
0x3: {  	_ = 	snop  }
0x4: {  	_ = 	snop  }
0x5: {  	_ = 	snop  }
0x6: {  	_ = 	snop  }
0x7: {  	_ = 	snop  }
__scs_overlays_trampoline_lowered:
0x8: {  	[smem:$0x3FAF] =	sst s0  }
0x9: {  	[smem:$0x3FB0] =	sst s1  }
0xa: {  	[smem:$0x3FB1] =	sst s2  }
0xb: {  	[smem:$0x3FB2] =	sst s3  }
0xc: {  	[smem:$0x3FB3] =	sst s4  }
0xd: {  	[smem:$0x3FB4] =	sst s5  }
0xe: {  	[smem:$0x3FB5] =	sst s6  }
0xf: {  	[smem:$0x3FB6] =	sst s7  }
0x10: {  	[smem:$0x3FB7] =	sst s8  }
0x11: {  	[smem:$0x3FB8] =	sst s9;
	s0 =	simm.s32 @!p0 $0x0  }
0x12: {  	s1 =	sld [smem:$0x3F9E];
	s0 =	simm.s32 @p0 $0x1  }
0x13: {  	[smem:$0x3FB9] =	sst s0;
	s0 =	simm.s32 @!p1 $0x0  }
0x14: {  	s2 =	sld [smem:$0x3F9D];
	s0 =	simm.s32 @p1 $0x1  }
0x15: {  	[smem:$0x3FBA] =	sst s0;
	s0 =	simm.s32 @!p2 $0x0  }
0x16: {  	s3 =	sld [smem:$0x3FDB];
	s0 =	simm.s32 @p2 $0x1  }
0x17: {  	s4 =	simm.s32 $0x1BF5;
	[smem:$0x3FBC] =	sst s0  }
0x18: {  	s0 =	sld [smem:$0x3F9F];
	_ =	swait.ge [sflag:s4], $0x0  }
0x19: {  	s7 =	sld [smem:$0x3FA0]  }
0x1a: {  	s8 =	sadd.s32 $0xFFFFE003, lr  }
0x1b: {  	s9 =	sadd.s32 $0xFFFFFEF7, lr;
	s5 =	simm.s32 $0xFFFFFFFF;
	p2 =	slt.u32 s8, $0xFFFFF086  }
0x1c: {  	p1 =	slt.u32 s9, $0xF7A;
	s5 =	simm.s32 @!p2 $0x0  }
0x1d: {  	s5 =	simm.s32 @p1 $0x1;
	p0 =	seq.s32 s7, s2  }
0x1e: {  	s7 =	smul.u32 @!p0 $0xF7A, s2;
	p2 =	seq.s32 @!p0 s5, $0x0  }
0x1f: {  	s9 =	smul.u32 $0xF7A, s1;
	s8 =	simm.s32 @!p0 $0x1BF5;
	p2 =	por !p2, p0  }
0x20: {  	[sflag:s8] =	ssyncset.s32 @!p0 $0xFFFFF086;
	s6 =	sadd.s32 @!p0 s3, s7;
	s7 =	simm.s32 @!p0 $0x108  }
0x21: {  	s3 =	sadd.s32 s3, s9;
	s6 =	sadd.s32 @!p0 $0x88, s6;
	s7 =	simm.s32 @p2 $0x1082  }
0x22: {  	[simem:s7], [sflag:s8] =	dma.local @!p0 [hbm:s6], $0xF7A  }
0x23: {  	s9 =	sor.u32 $0xD0000000, s2;
	s6 =	simm.s32 $0x108;
	_ =	swait.ge @!p0 [sflag:s8], $0x0  }
0x24: {  	s3 =	sadd.s32 $0x88, s3;
	s6 =	simm.s32 @!p1 $0x1082;
	[sflag:s4] =	ssyncset.s32 $0xFFFFF086  }
0x25: {  	[simem:s6], [sflag:s4] =	dma.local [hbm:s3], $0xF7A  }
0x26: {  	[smem:$0x3FA0] =	sst s1;
	(tag) =	ssettag s2;
	_ =	strace s9  }
0x27: {  	s1 =	sld [smem:$0x3FB0]  }
0x28: {  	s2 =	sld [smem:$0x3FB1]  }
0x29: {  	s4 =	sld [smem:$0x3FB3]  }
0x2a: {  	p0 =	seq.s32 s5, $0x0;
	s5 =	sld [smem:$0x3FB4]  }
0x2b: {  	s6 =	sld [smem:$0x3FB5]  }
0x2c: {  	s7 =	sld [smem:$0x3FB6]  }
0x2d: {  	s3 =	simm.s32 $0x108;
	s8 =	sld [smem:$0x3FB7]  }
0x2e: {  	s3 =	simm.s32 @!p0 $0x1082;
	s9 =	sld [smem:$0x3FB8]  }
0x2f: {  	lr =	sadd.s32 s0, s3;
	s0 =	sld [smem:$0x3FAF]  }
0x30: {  	s3 =	sld [smem:$0x3FB2]  }
0x31: {  	[smem:$0x3FBB] =	sst s10  }
0x32: {  	s10 =	sld [smem:$0x3FB9];
	_ =	sdelay $0x3  }
0x33: {  	p0 =	seq.s32 s10, $0x1;
	s10 =	sld [smem:$0x3FBB];
	_ =	sdelay $0x3  }
0x34: {  	[smem:$0x3FBB] =	sst s10  }
0x35: {  	s10 =	sld [smem:$0x3FBA];
	_ =	sdelay $0x3  }
0x36: {  	p1 =	seq.s32 s10, $0x1;
	s10 =	sld [smem:$0x3FBB];
	_ =	sdelay $0x3  }
0x37: {  	[smem:$0x3FBB] =	sst s10  }
0x38: {  	s10 =	sld [smem:$0x3FBC]  }
0x39: {  	_ = 	snop;
	(pc) =	sbr.ind lr, $3  }
0x3a: {  	_ = 	snop  }
0x3b: {  	_ = 	snop  }
0x3c: {  	p2 =	seq.s32 s10, $0x1;
	s10 =	sld [smem:$0x3FBB]  }
0x3d: {  	_ =	shalt  }
0x3e: {  	_ =	shalt  }
0x3f: {  	_ =	shalt  }
0x40: {  	_ =	shalt  }
0x41: {  	_ =	shalt  }
0x42: {  	_ =	shalt  }
0x43: {  	_ =	shalt  }
0x44: {  	_ =	shalt  }
0x45: {  	_ =	shalt  }
0x46: {  	_ =	shalt  }
0x47: {  	_ =	shalt  }
0x48: {  	_ =	shalt  }
0x49: {  	_ =	shalt  }
0x4a: {  	_ =	shalt  }
0x4b: {  	_ =	shalt  }
0x4c: {  	_ =	shalt  }
0x4d: {  	_ =	shalt  }
0x4e: {  	_ =	shalt  }
0x4f: {  	_ =	shalt  }
0x50: {  	_ =	shalt  }
0x51: {  	_ =	shalt  }
0x52: {  	_ =	shalt  }
0x53: {  	_ =	shalt  }
0x54: {  	_ =	shalt  }
0x55: {  	_ =	shalt  }
0x56: {  	_ =	shalt  }
0x57: {  	_ =	shalt  }
0x58: {  	_ =	shalt  }
0x59: {  	_ =	shalt  }
0x5a: {  	_ =	shalt  }
0x5b: {  	_ =	shalt  }
0x5c: {  	_ =	shalt  }
0x5d: {  	_ =	shalt  }
0x5e: {  	_ =	shalt  }
0x5f: {  	_ =	shalt  }
0x60: {  	_ =	shalt  }
0x61: {  	_ =	shalt  }
0x62: {  	_ =	shalt  }
0x63: {  	_ =	shalt  }
0x64: {  	_ =	shalt  }
0x65: {  	_ =	shalt  }
0x66: {  	_ =	shalt  }
0x67: {  	_ =	shalt  }
0x68: {  	_ =	shalt  }
0x69: {  	_ =	shalt  }
0x6a: {  	_ =	shalt  }
0x6b: {  	_ =	shalt  }
0x6c: {  	_ =	shalt  }
0x6d: {  	_ =	shalt  }
0x6e: {  	_ =	shalt  }
0x6f: {  	_ =	shalt  }
0x70: {  	_ =	shalt  }
0x71: {  	_ =	shalt  }
0x72: {  	_ =	shalt  }
0x73: {  	_ =	shalt  }
0x74: {  	_ =	shalt  }
0x75: {  	_ =	shalt  }
0x76: {  	_ =	shalt  }
0x77: {  	_ =	shalt  }
0x78: {  	_ =	shalt  }
0x79: {  	_ =	shalt  }
0x7a: {  	_ =	shalt  }
0x7b: {  	_ =	shalt  }
0x7c: {  	_ =	shalt  }
0x7d: {  	_ =	shalt  }
0x7e: {  	_ =	shalt  }
0x7f: {  	_ =	shalt  }
0x80: {  	_ =	shalt  }
0x81: {  	_ =	shalt  }
0x82: {  	_ =	shalt  }
0x83: {  	_ =	shalt  }
0x84: {  	_ =	shalt  }
0x85: {  	_ =	shalt  }
0x86: {  	_ =	shalt  }
0x87: {  	_ =	shalt  }
.Lfunc_end0:
.L_simem_size_0:
called_computation_lowered:
.L_overlay_start_0:
0x88: {  	s2 =	sld [smem:$0x3FD9]  }
0x89: {  	s3 =	sld [smem:$0x3FFE];
	_ =	sdelay $0x1  }
0x8a: {  	s1 =	srdreg.scid  }
0x8b: {  	s0 =	sand.u32 $0x1, s1  }
0x8c: {  	s17 =	sshll.u32 s0, $0xA;
	s2 =	sadd.s32 s3, s2  }
0x8d: {  	s2 =	sadd.s32 s2, s17  }
0x8e: {  	[smem:$0x3FC7] =	sst s2  }
0x8f: {  	_ = 	snop  }
0x90: {  	s2 =	sld [smem:$0x3FD0];
	(tm) =	ssettm $0x1  }
0x91: {  	s18 =	sld [smem:$0x3FFB];
	_ =	sdelay $0x3  }
0x92: {  	_ =	strace s18  }
0x93: {  	s3 =	sld [smem:$0x3FFC];
	_ =	sdelay $0x3  }
0x94: {  	_ =	strace s3  }
0x95: {  	s3 =	sld [smem:$0x3FFD];
	_ =	sdelay $0x3  }
0x96: {  	_ =	strace s3  }
0x97: {  	_ =	strace $0x8FFFFFFF  }
0x98: {  	s19 =	sld [smem:$0x3FDB];
	_ =	sdelay $0x1  }
0x99: {  	s4 =	simm.s32 $_scs_section_size  }
0x9a: {  	s5 =	simm.s32 $_size__tile_overlayer_lowered;
	s6 =	simm.s32 $_tile_overlayer_lowered  }
0x9b: {  	s22 =	simm.s32 $0x1BFF;
	s21 =	sshll.u32 s6, $0x1;
	s3 =	sadd.s32 s4, s19  }
0x9c: {  	s7 =	simm.s32 $0x0;
	s20 =	sshll.u32 s5, $0x1;
	s5 =	sadd.s32 s21, s3  }
0x9d: {  	[timem:s7], [sflag:s22] =	dma.local [hbm:s5], s20  }
0x9e: {  	_ =	swait.ge [sflag:s22], s20  }
0x9f: {  	s4 =	ssub.s32 $0x0, s20;
	[sflag:s22] =	ssyncset.done $0x0  }
0xa0: {  	[sflag:s22] =	ssyncadd.s32 s4;
	_ =	sdelay $0x1  }
0xa1: {  	s23 =	simm.s32 $0x1B8B  }
0xa2: {  	_ =	swait.ge [sflag:s23], $0x1  }
0xa3: {  	[sflag:s23] =	ssyncset.done $0x0  }
0xa4: {  	s25 =	simm.s32 $0x1B8E;
	s24 =	sld [smem:$0x3FFE];
	[sflag:s23] =	ssyncadd.s32 $0xFFFFFFFF  }
0xa5: {  	s26 =	simm.s32 $execute0_lowered;
	[smem:$0x3FD2] =	sst s25  }
0xa6: {  	s5 =	sshll.u32 s26, $0x1;
	_ =	strace $0x80000046;
	[dreg:$0x1] =	wrdreg $0xFFFFFFFF  }
0xa7: {  	s28 =	simm.s32 $_size_execute0_lowered;
	s3 =	sadd.s32 s3, s5;
	[dreg:$0x0] =	wrdreg $0x0  }
0xa8: {  	s5 =	sshll.u32 s28, $0x1;
	[dreg:$0x2] =	wrdreg s3  }
0xa9: {  	[dreg:$0x3] =	wrdreg s5  }
0xaa: {  	[dreg:$0x4] =	wrdreg $0xC0  }
0xab: {  	_ =	task [dreg:s7], $0x5FFFF  }
0xac: {  	[dreg:$0x1] =	wrdreg $0xFFFFFFFF  }
0xad: {  	[dreg:$0x0] =	wrdreg $0x60  }
0xae: {  	[dreg:$0x2] =	wrdreg s2  }
0xaf: {  	[dreg:$0x3] =	wrdreg s24  }
0xb0: {  	[dreg:$0x4] =	wrdreg $0x9  }
0xb1: {  	_ =	task.clear_ibuf [dreg:s7], $0x5FFFF;
	_ =	strace $0x90000046  }
0xb2: {  	s29 =	simm.s32 $0x9;
	_ =	strace $0x80000048  }
0xb3: {  	_ =	swait.ge [sflag:s29], $0x1  }
0xb4: {  	[sflag:s29] =	ssyncadd.s32 $0xFFFFFFFF  }
0xb5: {  	_ =	strace $0x90000048  }
0xb6: {  	_ =	sfence  }
0xb7: {  	s30 =	sld [smem:$0x0];
	_ =	sdelay $0x2  }
0xb8: {  	s31 =	sshll.u32 s1, $0xD;
	s1 =	sshrl.u32 s1, $0x2  }
0xb9: {  	s3 =	sand.u32 $0x4000, s31;
	s1 =	sadd.s32 s1, s30  }
0xba: {  	s0 =	sor.u32 s3, s0;
	s1 =	sshll.u32 s1, $0x11  }
0xbb: {  	s0 =	sor.u32 s1, s0  }
0xbc: {  	s0 =	sadd.s32 $0x8F2B, s0  }
0xbd: {  	[sflag:s0] =	ssyncadd.remote.s32 $0x1  }
0xbe: {  	_ =	sfence.sel $0xFFFF  }
0xbf: {  	[dreg:$0x0] =	wrdreg $0xFFFFFFFF;
	(pc) =	sbr.abs _section_cstart, $3  }
0xc0: {  	[dreg:$0x1] =	wrdreg $0xFFFFFFFF  }
0xc1: {  	_ =	task.clear_ibuf [dreg:s7], $0x2FFFF;
	_ =	strace $0x9FFFFFFF  }
0xc2: {  	(tm) =	ssettm $0x7FFFFFFF  }
0xc3: {  	_ =	shalt  }
tec
execute0_lowered:
.L_overlay_start_1:
0x0: {  	(tag) =	ssettag $0x1  }
0x1: {  	s2 =	rddreg [dreg:$0x0]  }
0x2: {  	s0 =	stileid.u32;
	s1 =	srdreg.scid  }
0x3: {  	s4 =	rddreg [dreg:$0x1];
	s8 =	simm.s32 $0x0;
	s3 =	sand.u32 $0x1, s1  }
0x4: {  	s5 =	smul.u32 $0x190000, s0;
	s1 =	rddreg [dreg:$0x2];
	s6 =	ssub.s32 $0x2, s3  }
0x5: {  	s7 =	smul.u32 $0xC8000, s3;
	s3 =	simm.s32 $0x0;
	s30 =	sshrl.u32 s6, $0x1  }
0x6: {  	s4 =	sadd.s32 s5, s4;
	[smem:$0x7FF] =	sst s3;
	s5 =	ssub.s32 s6, s30  }
0x7: {  	s31 =	sadd.s32 s7, s4;
	_ =	strace $0x80000047;
	s6 =	simm.s32 $0x5  }
0x8: {  	s7 =	simm.s32 $0x1;
	s4 =	smax.u32 s5, $0x1;
	s5 =	sadd.s32 $0x400, s31  }
.LBB2_1:
0x9: {  	s9 =	simm.s32 $0x10  }
0xa: {  	s12 =	sadd.s32 $0x0, s2;
	s10 =	simm.s32 $0x400;
	s11 =	simm.s32 $0x0  }
.LBB2_2:
0xb: {  	[tilespmem:s11], [sflag:$0x5] =	stream.linear.gather [hbm4b:s12+s3], $0x80, $0x38;
	[tilespmem:$0x19000] =	vst v63  }
0xc: {  	s12 =	smov.u32 s9;
	s11 =	smov.u32 s10;
	p0 =	sne.s32 s9, $0x630  }
.Ltmp0:
0xd: {  	s9 =	sadd.s32 $0x10, s9;
	(pc) =	sbr.rel @p0 .LBB2_2-.Ltmp0, $2  }
0xe: {  	_ =	sdelay $0x2  }
0xf: {  	s10 =	sadd.s32 $0x400, s10;
	s12 =	sadd.s32 s12, s2  }
0x10: {  	[tilespmem:s11], [sflag:$0x5] =	stream.linear.gather [hbm4b:s12+s3], $0x80, $0x38;
	[tilespmem:$0x19000] =	vst v63  }
0x11: {  	_ =	swait.ge [sflag:s6], $0x3200  }
0x12: {  	s9 =	simm.s32 $0x80;
	s10 =	simm.s32 $0x10;
	[sflag:s6] =	ssyncset.done $0x0  }
0x13: {  	s12 =	sadd.s32 $0x0, s2;
	s11 =	simm.s32 $0x480;
	[sflag:s6] =	ssyncadd.s32 $0xFFFFCE00  }
.LBB2_4:
0x14: {  	[tilespmem:s9], [sflag:$0x5] =	stream.linear.gather [hbm4b:s12+s3], $0x80, $0x38;
	[tilespmem:$0x19000] =	vst v63  }
0x15: {  	s12 =	smov.u32 s10;
	s9 =	smov.u32 s11;
	p0 =	sne.s32 s10, $0x630  }
.Ltmp1:
0x16: {  	s10 =	sadd.s32 $0x10, s10;
	(pc) =	sbr.rel @p0 .LBB2_4-.Ltmp1, $2  }
0x17: {  	_ =	sdelay $0x2  }
0x18: {  	s11 =	sadd.s32 $0x400, s11;
	s12 =	sadd.s32 s12, s2  }
0x19: {  	[tilespmem:s9], [sflag:$0x5] =	stream.linear.gather [hbm4b:s12+s3], $0x80, $0x38;
	[tilespmem:$0x19000] =	vst v63  }
0x1a: {  	_ =	swait.ge [sflag:s6], $0x3200  }
0x1b: {  	s9 =	simm.s32 $0x100;
	s10 =	simm.s32 $0x10;
	[sflag:s6] =	ssyncset.done $0x0  }
0x1c: {  	s12 =	sadd.s32 $0x0, s2;
	s11 =	simm.s32 $0x500;
	[sflag:s6] =	ssyncadd.s32 $0xFFFFCE00  }
.LBB2_6:
0x1d: {  	[tilespmem:s9], [sflag:$0x5] =	stream.linear.gather [hbm4b:s12+s3], $0x80, $0x38;
	[tilespmem:$0x19000] =	vst v63  }
0x1e: {  	s12 =	smov.u32 s10;
	s9 =	smov.u32 s11;
	p0 =	sne.s32 s10, $0x630  }
.Ltmp2:
0x1f: {  	s10 =	sadd.s32 $0x10, s10;
	(pc) =	sbr.rel @p0 .LBB2_6-.Ltmp2, $2  }
0x20: {  	_ =	sdelay $0x2  }
0x21: {  	s11 =	sadd.s32 $0x400, s11;
	s12 =	sadd.s32 s12, s2  }
0x22: {  	[tilespmem:s9], [sflag:$0x5] =	stream.linear.gather [hbm4b:s12+s3], $0x80, $0x38;
	[tilespmem:$0x19000] =	vst v63  }
0x23: {  	_ =	swait.ge [sflag:s6], $0x3200  }
0x24: {  	s9 =	simm.s32 $0x180;
	s10 =	simm.s32 $0x10;
	[sflag:s6] =	ssyncset.done $0x0  }
0x25: {  	s12 =	sadd.s32 $0x0, s2;
	s11 =	simm.s32 $0x580;
	[sflag:s6] =	ssyncadd.s32 $0xFFFFCE00  }
.LBB2_8:
0x26: {  	[tilespmem:s9], [sflag:$0x5] =	stream.linear.gather [hbm4b:s12+s3], $0x80, $0x38;
	[tilespmem:$0x19000] =	vst v63  }
0x27: {  	s12 =	smov.u32 s10;
	s9 =	smov.u32 s11;
	p0 =	sne.s32 s10, $0x630  }
.Ltmp3:
0x28: {  	s10 =	sadd.s32 $0x10, s10;
	(pc) =	sbr.rel @p0 .LBB2_8-.Ltmp3, $2  }
0x29: {  	_ =	sdelay $0x2  }
0x2a: {  	s11 =	sadd.s32 $0x400, s11;
	s12 =	sadd.s32 s12, s2  }
0x2b: {  	[tilespmem:s9], [sflag:$0x5] =	stream.linear.gather [hbm4b:s12+s3], $0x80, $0x38;
	[tilespmem:$0x19000] =	vst v63  }
0x2c: {  	_ =	swait.ge [sflag:s6], $0x3200  }
0x2d: {  	s9 =	simm.s32 $0x200;
	s10 =	simm.s32 $0x10;
	[sflag:s6] =	ssyncset.done $0x0  }
0x2e: {  	s12 =	sadd.s32 $0x0, s2;
	s11 =	simm.s32 $0x600;
	[sflag:s6] =	ssyncadd.s32 $0xFFFFCE00  }
.LBB2_10:
0x2f: {  	[tilespmem:s9], [sflag:$0x5] =	stream.linear.gather [hbm4b:s12+s3], $0x80, $0x38;
	[tilespmem:$0x19000] =	vst v63  }
0x30: {  	s12 =	smov.u32 s10;
	s9 =	smov.u32 s11;
	p0 =	sne.s32 s10, $0x630  }
.Ltmp4:
0x31: {  	s10 =	sadd.s32 $0x10, s10;
	(pc) =	sbr.rel @p0 .LBB2_10-.Ltmp4, $2  }
0x32: {  	_ =	sdelay $0x2  }
0x33: {  	s11 =	sadd.s32 $0x400, s11;
	s12 =	sadd.s32 s12, s2  }
0x34: {  	[tilespmem:s9], [sflag:$0x5] =	stream.linear.gather [hbm4b:s12+s3], $0x80, $0x38;
	[tilespmem:$0x19000] =	vst v63  }
0x35: {  	_ =	swait.ge [sflag:s6], $0x3200  }
0x36: {  	s9 =	simm.s32 $0x280;
	s10 =	simm.s32 $0x10;
	[sflag:s6] =	ssyncset.done $0x0  }
0x37: {  	s12 =	sadd.s32 $0x0, s2;
	s11 =	simm.s32 $0x680;
	[sflag:s6] =	ssyncadd.s32 $0xFFFFCE00  }
.LBB2_12:
0x38: {  	[tilespmem:s9], [sflag:$0x5] =	stream.linear.gather [hbm4b:s12+s3], $0x80, $0x38;
	[tilespmem:$0x19000] =	vst v63  }
0x39: {  	s12 =	smov.u32 s10;
	s9 =	smov.u32 s11;
	p0 =	sne.s32 s10, $0x630  }
.Ltmp5:
0x3a: {  	s10 =	sadd.s32 $0x10, s10;
	(pc) =	sbr.rel @p0 .LBB2_12-.Ltmp5, $2  }
0x3b: {  	_ =	sdelay $0x2  }
0x3c: {  	s11 =	sadd.s32 $0x400, s11;
	s12 =	sadd.s32 s12, s2  }
0x3d: {  	[tilespmem:s9], [sflag:$0x5] =	stream.linear.gather [hbm4b:s12+s3], $0x80, $0x38;
	[tilespmem:$0x19000] =	vst v63  }
0x3e: {  	_ =	swait.ge [sflag:s6], $0x3200  }
0x3f: {  	s9 =	simm.s32 $0x300;
	s10 =	simm.s32 $0x10;
	[sflag:s6] =	ssyncset.done $0x0  }
0x40: {  	s12 =	sadd.s32 $0x0, s2;
	s11 =	simm.s32 $0x700;
	[sflag:s6] =	ssyncadd.s32 $0xFFFFCE00  }
.LBB2_14:
0x41: {  	[tilespmem:s9], [sflag:$0x5] =	stream.linear.gather [hbm4b:s12+s3], $0x80, $0x38;
	[tilespmem:$0x19000] =	vst v63  }
0x42: {  	s12 =	smov.u32 s10;
	s9 =	smov.u32 s11;
	p0 =	sne.s32 s10, $0x630  }
.Ltmp6:
0x43: {  	s10 =	sadd.s32 $0x10, s10;
	(pc) =	sbr.rel @p0 .LBB2_14-.Ltmp6, $2  }
0x44: {  	_ =	sdelay $0x2  }
0x45: {  	s11 =	sadd.s32 $0x400, s11;
	s12 =	sadd.s32 s12, s2  }
0x46: {  	[tilespmem:s9], [sflag:$0x5] =	stream.linear.gather [hbm4b:s12+s3], $0x80, $0x38;
	[tilespmem:$0x19000] =	vst v63  }
0x47: {  	_ =	swait.ge [sflag:s6], $0x3200  }
0x48: {  	s9 =	simm.s32 $0x380;
	s10 =	simm.s32 $0x10;
	[sflag:s6] =	ssyncset.done $0x0  }
0x49: {  	s12 =	sadd.s32 $0x0, s2;
	s11 =	simm.s32 $0x780;
	[sflag:s6] =	ssyncadd.s32 $0xFFFFCE00  }
.LBB2_16:
0x4a: {  	[tilespmem:s9], [sflag:$0x5] =	stream.linear.gather [hbm4b:s12+s3], $0x80, $0x38;
	[tilespmem:$0x19000] =	vst v63  }
0x4b: {  	s12 =	smov.u32 s10;
	s9 =	smov.u32 s11;
	p0 =	sne.s32 s10, $0x630  }
.Ltmp7:
0x4c: {  	s10 =	sadd.s32 $0x10, s10;
	(pc) =	sbr.rel @p0 .LBB2_16-.Ltmp7, $2  }
0x4d: {  	_ =	sdelay $0x2  }
0x4e: {  	s11 =	sadd.s32 $0x400, s11;
	s12 =	sadd.s32 s12, s2  }
0x4f: {  	[tilespmem:s9], [sflag:$0x5] =	stream.linear.gather [hbm4b:s12+s3], $0x80, $0x38;
	[tilespmem:$0x19000] =	vst v63  }
0x50: {  	_ =	swait.ge [sflag:s6], $0x3200  }
0x51: {  	[sflag:s6] =	ssyncset.done $0x0  }
0x52: {  	s9 =	simm.s32 $0x0;
	[sflag:s6] =	ssyncadd.s32 $0xFFFFCE00  }
.LBB2_18:
0x53: {  	p0 =	sne.s32 s9, $0xC4E00  }
.Ltmp8:
0x54: {  	_ = 	snop;
	(pc) =	sbr.rel @p0 .LBB2_18-.Ltmp8, $3  }
0x55: {  	_ =	sdelay $0x1  }
0x56: {  	s10 =	sadd.s32 s9, s5;
	s9 =	sadd.s32 $0x3200, s9  }
0x57: {  	[hbm4b:s10+s3] =	stream.linear.scatter [tilespmem:s3], [sflag:$0x1], $0x19000, $0x38;
	[tilespmem:$0x19000] =	vst v63  }
0x58: {  	_ =	swait.ge [sflag:s7], $0x19000  }
0x59: {  	s9 =	simm.s32 $0x3F;
	[sflag:s7] =	ssyncset.done $0x0  }
.LBB2_20:
0x5a: {  	p0 =	sne.s32 s9, $0x1;
	s9 =	sadd.s32 $0xFFFFFFFF, s9;
	[sflag:s7] =	ssyncadd.s32 $0xFFFE7000  }
.Ltmp9:
0x5b: {  	(pc) =	sbr.rel @p0 .LBB2_20-.Ltmp9, $3  }
0x5c: {  	_ =	sdelay $0x1  }
0x5d: {  	_ =	swait.ge [sflag:s7], $0x19000  }
0x5e: {  	[sflag:s7] =	ssyncset.done $0x0  }
0x5f: {  	s8 =	sadd.s32 $0x1, s8  }
0x60: {  	p0 =	sne.s32 s8, s4  }
.Ltmp10:
0x61: {  	_ = 	snop;
	(pc) =	sbr.rel @p0 .LBB2_1-.Ltmp10, $2  }
0x62: {  	_ =	sdelay $0x2  }
0x63: {  	[sflag:s7] =	ssyncadd.s32 $0xFFFE7000  }
0x64: {  	_ =	sfence.sel $0x180000  }
0x65: {  	[bflag:$0x0] =	sbarrier.arrive $0xFFFF  }
0x66: {  	p0 =	sne.s32 s0, $0x0;
	_ =	strace $0x90000047  }
0x67: {  	s0 =	sadd.s32 @!p0 $0x100000, s1;
	[bflag:$0x2] =	sbarrier.arrive $0xFFFF  }
0x68: {  	[sflag:s0] =	ssyncadd.tile.s32 @!p0 $0x1;
	_ =	shalt  }
.Lfunc_end2:
_tile_overlayer_lowered:
.L_overlay_start_2:
0x69: {  	(tag) =	ssettag $0x2  }
0x6a: {  	s0 =	rddreg [dreg:$0x0];
	s2 =	stileid.u32  }
0x6b: {  	s1 =	rddreg [dreg:$0x1];
	p0 =	sne.s32 s2, $0x0  }
0x6c: {  	s3 =	rddreg [dreg:$0x2];
	[bflag:$0x3] =	sbarrier.arrive $0xFFFF;
	s2 =	simm.s32 @!p0 $0x1C05  }
0x6d: {  	[timem:s3], [sflag:s2] =	dma.local @!p0 [hbm:s0], s1  }
0x6e: {  	s0 =	simm.s32 @!p0 $0x5  }
0x6f: {  	_ =	swait.ge @!p0 [sflag:s0], s1  }
0x70: {  	s1 =	ssub.s32 @!p0 $0x0, s1;
	[sflag:s0] =	ssyncset.done @!p0 $0x0  }
0x71: {  	[sflag:s0] =	ssyncadd.s32 @!p0 s1  }
0x72: {  	[bflag:$0x3] =	sbarrier.arrive $0xFFFF  }
0x73: {  	_ =	shalt  }

</sc_bundles>
